<compile_context>
chip_gen: v7x
topology: tpu7x:2x2x1
jax: 0.10.2.dev20260603
libtpu: 0.0.44.dev20260713+nightly
codegen_flags: <defaults>
</compile_context>

<pallas_src>
import functools

import jax
import jax.numpy as jnp
from jax import lax
from jax.experimental import pallas as pl
from jax.experimental.pallas import tpu as pltpu
from jax.experimental.pallas import tpu_sc as plsc

_R = 512
_NW = 32
_GCHUNK = 128


def _vq_tc_kernel(z_ref, zsq_ref, w2_ref, wsq_ref, idx_ref, loss_ref):
    i = pl.program_id(0)
    nsteps = pl.num_programs(0)
    z = z_ref[...]
    w2 = w2_ref[...]
    kk = w2.shape[0]
    half = kk // 2

    zb = z.astype(jnp.bfloat16).astype(jnp.float32)
    zsq = zsq_ref[...]
    wsq = wsq_ref[...]
    mm2 = lax.dot_general(zb, w2, (((1,), (1,)), ((), ())))
    d = (zsq + wsq) - mm2

    d0 = d[:, :half]
    d1 = d[:, half:]
    m0 = jnp.min(d0, axis=1, keepdims=True)
    m1 = jnp.min(d1, axis=1, keepdims=True)
    io = lax.broadcasted_iota(jnp.int32, d0.shape, 1)
    i0 = jnp.min(jnp.where(d0 == m0, io, half), axis=1)
    i1 = jnp.min(jnp.where(d1 == m1, io, half), axis=1) + half
    mb = m0[:, 0].astype(jnp.bfloat16).astype(jnp.float32)
    take1 = m1[:, 0] < mb
    idx = jnp.where(take1, i1, i0)
    idx_ref[...] = idx.reshape(1, 1, _R)

    msel = jnp.where(take1, m1[:, 0], m0[:, 0])
    @pl.when(i == 0)
    def _init():
        loss_ref[...] = jnp.zeros((1, 1), jnp.float32)
    loss_ref[...] += jnp.sum(msel, keepdims=True).reshape(1, 1)
    @pl.when(i == nsteps - 1)
    def _fin():
        total = nsteps * _R * z.shape[1]
        loss_ref[...] = loss_ref[...] * (0.25 / total)


def _make_sc_gather(n, dim):
    bpw = n // _NW
    nch = bpw // _GCHUNK

    @functools.partial(
        pl.kernel,
        out_type=jax.ShapeDtypeStruct((n, dim), jnp.float32),
        mesh=plsc.VectorSubcoreMesh(core_axis_name="c", subcore_axis_name="s"),
        scratch_types=[
            pltpu.VMEM((bpw,), jnp.int32),
            pltpu.VMEM((bpw, dim), jnp.float32),
            pltpu.VMEM((bpw, dim), jnp.float32),
            pltpu.SemaphoreType.DMA,
        ],
        compiler_params=pltpu.CompilerParams(use_tc_tiling_on_sc=False),
    )
    def sc_gather_st(w_hbm, idx_hbm, z_hbm, out_hbm, idx_v, rows_v, z_v, sem):
        wid = lax.axis_index("s") * 2 + lax.axis_index("c")
        base = wid * bpw
        pltpu.sync_copy(idx_hbm.at[pl.ds(base, bpw)], idx_v)
        pltpu.sync_copy(z_hbm.at[pl.ds(base, bpw)], z_v)
        copies = []
        for j in range(nch):
            copies.append(pltpu.async_copy(
                w_hbm.at[idx_v.at[pl.ds(j * _GCHUNK, _GCHUNK)]],
                rows_v.at[pl.ds(j * _GCHUNK, _GCHUNK)],
                sem,
            ))
        for c in copies:
            c.wait()

        def row_body(r, carry):
            for h in range(dim // 16):
                zv = z_v[r, pl.ds(h * 16, 16)]
                rv = rows_v[r, pl.ds(h * 16, 16)]
                rows_v[r, pl.ds(h * 16, 16)] = zv + (rv - zv)
            return carry

        lax.fori_loop(0, bpw, row_body, 0)
        pltpu.sync_copy(rows_v, out_hbm.at[pl.ds(base, bpw)])

    return sc_gather_st


def kernel(z, W):
    Bz, Tz, Dz = z.shape
    Kz = W.shape[0]
    n = Bz * Tz
    nb = n // _R
    z_flat = z.reshape(n, Dz)
    zsq = jnp.sum(z_flat ** 2, axis=1, keepdims=True)
    wsq = jnp.sum(W ** 2, axis=1).reshape(1, Kz)
    w2 = W + W

    idx3, loss = pl.pallas_call(
        _vq_tc_kernel,
        grid=(nb,),
        in_specs=[
            pl.BlockSpec((_R, Dz), lambda i: (i, 0)),
            pl.BlockSpec((_R, 1), lambda i: (i, 0)),
            pl.BlockSpec((Kz, Dz), lambda i: (0, 0)),
            pl.BlockSpec((1, Kz), lambda i: (0, 0)),
        ],
        out_specs=[
            pl.BlockSpec((1, 1, _R), lambda i: (i, 0, 0)),
            pl.BlockSpec((1, 1), lambda i: (0, 0)),
        ],
        out_shape=[
            jax.ShapeDtypeStruct((nb, 1, _R), jnp.int32),
            jax.ShapeDtypeStruct((1, 1), jnp.float32),
        ],
        compiler_params=pltpu.CompilerParams(
            dimension_semantics=("arbitrary",),
        ),
    )(z_flat, zsq, w2, wsq)

    indices = idx3.reshape(n)
    zq_st = _make_sc_gather(n, Dz)(W, indices, z_flat)

    return (zq_st.reshape(Bz, Tz, Dz),
            indices.reshape(Bz, Tz),
            loss.reshape(()))

# --- scband reference (transcript-rebuilt; emitter-appended) ---
"""Pipeline reference for scband-vector-quantizer-8796093022594 (READ-ONLY COPY).

The authoritative reference and input builder live on the scoring server;
editing this copy changes nothing except your own understanding.
"""

import jax, jax.numpy as jnp
import numpy as np

K = 8192
D = 32
B = 32
T = 1024

def setup_inputs(seed: int = 0) -> dict:
    key = jax.random.key(seed)
    k1, k2 = jax.random.split(key)
    z = jax.random.normal(k1, (B, T, D), dtype=jnp.float32)
    W = jax.random.uniform(k2, (K, D), dtype=jnp.float32, minval=-1.0 / K, maxval=1.0 / K)
    return {"z": z, "W": W}

def reference(z, W):
    Bz, Tz, Dz = z.shape
    z_flat = z.reshape(-1, Dz)
    d = (jnp.sum(z_flat ** 2, axis=1, keepdims=True)
         + jnp.sum(W ** 2, axis=1)
         - 2.0 * (z_flat @ W.T))
    indices = jnp.argmin(d, axis=1)
    z_q = jnp.take(W, indices, axis=0).reshape(Bz, Tz, Dz)
    commitment_loss = jnp.mean((z - jax.lax.stop_gradient(z_q)) ** 2)
    z_q_st = z + jax.lax.stop_gradient(z_q - z)
    return (z_q_st, indices.reshape(Bz, Tz), 0.25 * commitment_loss)

if __name__ == "__main__":
    import jax
    _d = setup_inputs()
    print(jax.jit(kernel)(*tuple(_d.values())))

</pallas_src>

<mosaic_0001>
#map = affine_map<(d0, d1) -> (0, 0)>
#map1 = affine_map<(d0, d1) -> (0)>
module attributes {stable_mosaic.version = 14 : i64} {
  func.func @sc_gather_st(%arg0: i32, %arg1: i32, %arg2: memref<8192x32xf32, #tpu.memory_space<hbm>>, %arg3: memref<32768xi32, #tpu.memory_space<hbm>>, %arg4: memref<32768x32xf32, #tpu.memory_space<hbm>>, %arg5: memref<32768x32xf32, #tpu.memory_space<hbm>>, %arg6: memref<1024xi32, #tpu.memory_space<vmem>>, %arg7: memref<1024x32xf32, #tpu.memory_space<vmem>>, %arg8: memref<1024x32xf32, #tpu.memory_space<vmem>>, %arg9: memref<!tpu.dma_semaphore, #tpu.memory_space<semaphore_mem>>) attributes {dimension_semantics = [#tpu.dimension_semantics<core_parallel>, #tpu.dimension_semantics<subcore_parallel>], iteration_bounds = array<i64: 2, 16>, scalar_prefetch = 0 : i64, scratch_operands = 4 : i64, tpu.core_type = #tpu.core_type<sc_vector_subcore>, window_params = [{transform_indices = #map}, {transform_indices = #map1}, {transform_indices = #map}, {transform_indices = #map}]} {
    %mul3A = arith.constant 2 : i32
    %mul3A_0 = arith.muli %arg1, %mul3A : i32
    %add3A = arith.addi %mul3A_0, %arg0 : i32
    %mul3A_1 = arith.constant 1024 : i32
    %mul3A_2 = arith.muli %add3A, %mul3A_1 : i32
    "tpu.region"() ({
      %run_scoped3A = tpu.sem_alloc : memref<!tpu.dma_semaphore, #tpu.memory_space<semaphore_mem>>
      %dma_start3A_134 = tpu.memref_slice %arg3[%mul3A_2] : memref<32768xi32, #tpu.memory_space<hbm>> -> memref<1024xi32, #tpu.memory_space<hbm>>
      %dma_start3A_135 = tpu.memref_slice %arg3[%mul3A_2] : memref<32768xi32, #tpu.memory_space<hbm>> -> memref<1024xi32, #tpu.memory_space<hbm>>
      tpu.enqueue_dma source(%dma_start3A_135 : memref<1024xi32, #tpu.memory_space<hbm>>) target(%arg6 : memref<1024xi32, #tpu.memory_space<vmem>>) target_semaphore(%run_scoped3A : memref<!tpu.dma_semaphore, #tpu.memory_space<semaphore_mem>>)
      %dma_wait3A_136 = tpu.memref_slice %arg3[%mul3A_2] : memref<32768xi32, #tpu.memory_space<hbm>> -> memref<1024xi32, #tpu.memory_space<hbm>>
      %dma_wait3A_137 = tpu.memref_slice %arg3[%mul3A_2] : memref<32768xi32, #tpu.memory_space<hbm>> -> memref<1024xi32, #tpu.memory_space<hbm>>
      tpu.wait_dma2 semaphore(%run_scoped3A : memref<!tpu.dma_semaphore, #tpu.memory_space<semaphore_mem>>) src(%dma_wait3A_137 : memref<1024xi32, #tpu.memory_space<hbm>>) dst(%arg6 : memref<1024xi32, #tpu.memory_space<vmem>>)
      tpu.yield
    }) : () -> ()
    "tpu.region"() ({
      %run_scoped3A = tpu.sem_alloc : memref<!tpu.dma_semaphore, #tpu.memory_space<semaphore_mem>>
      %dma_start3A_134 = arith.constant 0 : i32
      %dma_start3A_135 = tpu.memref_slice %arg4[%mul3A_2, %dma_start3A_134] : memref<32768x32xf32, #tpu.memory_space<hbm>> -> memref<1024x32xf32, #tpu.memory_space<hbm>>
      %dma_start3A_136 = arith.constant 0 : i32
      %dma_start3A_137 = tpu.memref_slice %arg4[%mul3A_2, %dma_start3A_136] : memref<32768x32xf32, #tpu.memory_space<hbm>> -> memref<1024x32xf32, #tpu.memory_space<hbm>>
      tpu.enqueue_dma source(%dma_start3A_137 : memref<1024x32xf32, #tpu.memory_space<hbm>>) target(%arg8 : memref<1024x32xf32, #tpu.memory_space<vmem>>) target_semaphore(%run_scoped3A : memref<!tpu.dma_semaphore, #tpu.memory_space<semaphore_mem>>)
      %dma_wait3A_138 = arith.constant 0 : i32
      %dma_wait3A_139 = tpu.memref_slice %arg4[%mul3A_2, %dma_wait3A_138] : memref<32768x32xf32, #tpu.memory_space<hbm>> -> memref<1024x32xf32, #tpu.memory_space<hbm>>
      %dma_wait3A_140 = arith.constant 0 : i32
      %dma_wait3A_141 = tpu.memref_slice %arg4[%mul3A_2, %dma_wait3A_140] : memref<32768x32xf32, #tpu.memory_space<hbm>> -> memref<1024x32xf32, #tpu.memory_space<hbm>>
      tpu.wait_dma2 semaphore(%run_scoped3A : memref<!tpu.dma_semaphore, #tpu.memory_space<semaphore_mem>>) src(%dma_wait3A_141 : memref<1024x32xf32, #tpu.memory_space<hbm>>) dst(%arg8 : memref<1024x32xf32, #tpu.memory_space<vmem>>)
      tpu.yield
    }) : () -> ()
    %dma_start3A = arith.constant 0 : i32
    %dma_start3A_3 = arith.constant 0 : i32
    %dma_start3A_4 = tpu.memref_slice %arg7[%dma_start3A, %dma_start3A_3] : memref<1024x32xf32, #tpu.memory_space<vmem>> -> memref<128x32xf32, #tpu.memory_space<vmem>>
    %dma_start3A_5 = arith.constant 0 : i32
    %dma_start3A_6 = tpu.memref_slice %arg6[%dma_start3A_5] : memref<1024xi32, #tpu.memory_space<vmem>> -> memref<128xi32, #tpu.memory_space<vmem>>
    %dma_start3A_7 = arith.constant 0 : i32
    %dma_start3A_8 = arith.constant 0 : i32
    %dma_start3A_9 = tpu.memref_slice %arg2[%dma_start3A_7, %dma_start3A_8] : memref<8192x32xf32, #tpu.memory_space<hbm>> -> memref<8192x32xf32, #tpu.memory_space<hbm>>
    tpu.enqueue_indirect_dma source(%dma_start3A_9 : memref<8192x32xf32, #tpu.memory_space<hbm>>) target(%dma_start3A_4 : memref<128x32xf32, #tpu.memory_space<vmem>>) offsets(%dma_start3A_6 : memref<128xi32, #tpu.memory_space<vmem>>) semaphore(%arg9 : memref<!tpu.dma_semaphore, #tpu.memory_space<semaphore_mem>>)
    %dma_start3A_10 = arith.constant 128 : i32
    %dma_start3A_11 = arith.constant 0 : i32
    %dma_start3A_12 = tpu.memref_slice %arg7[%dma_start3A_10, %dma_start3A_11] : memref<1024x32xf32, #tpu.memory_space<vmem>> -> memref<128x32xf32, #tpu.memory_space<vmem>>
    %dma_start3A_13 = arith.constant 128 : i32
    %dma_start3A_14 = tpu.memref_slice %arg6[%dma_start3A_13] : memref<1024xi32, #tpu.memory_space<vmem>> -> memref<128xi32, #tpu.memory_space<vmem>>
    %dma_start3A_15 = arith.constant 0 : i32
    %dma_start3A_16 = arith.constant 0 : i32
    %dma_start3A_17 = tpu.memref_slice %arg2[%dma_start3A_15, %dma_start3A_16] : memref<8192x32xf32, #tpu.memory_space<hbm>> -> memref<8192x32xf32, #tpu.memory_space<hbm>>
    tpu.enqueue_indirect_dma source(%dma_start3A_17 : memref<8192x32xf32, #tpu.memory_space<hbm>>) target(%dma_start3A_12 : memref<128x32xf32, #tpu.memory_space<vmem>>) offsets(%dma_start3A_14 : memref<128xi32, #tpu.memory_space<vmem>>) semaphore(%arg9 : memref<!tpu.dma_semaphore, #tpu.memory_space<semaphore_mem>>)
    %dma_start3A_18 = arith.constant 256 : i32
    %dma_start3A_19 = arith.constant 0 : i32
    %dma_start3A_20 = tpu.memref_slice %arg7[%dma_start3A_18, %dma_start3A_19] : memref<1024x32xf32, #tpu.memory_space<vmem>> -> memref<128x32xf32, #tpu.memory_space<vmem>>
    %dma_start3A_21 = arith.constant 256 : i32
    %dma_start3A_22 = tpu.memref_slice %arg6[%dma_start3A_21] : memref<1024xi32, #tpu.memory_space<vmem>> -> memref<128xi32, #tpu.memory_space<vmem>>
    %dma_start3A_23 = arith.constant 0 : i32
    %dma_start3A_24 = arith.constant 0 : i32
    %dma_start3A_25 = tpu.memref_slice %arg2[%dma_start3A_23, %dma_start3A_24] : memref<8192x32xf32, #tpu.memory_space<hbm>> -> memref<8192x32xf32, #tpu.memory_space<hbm>>
    tpu.enqueue_indirect_dma source(%dma_start3A_25 : memref<8192x32xf32, #tpu.memory_space<hbm>>) target(%dma_start3A_20 : memref<128x32xf32, #tpu.memory_space<vmem>>) offsets(%dma_start3A_22 : memref<128xi32, #tpu.memory_space<vmem>>) semaphore(%arg9 : memref<!tpu.dma_semaphore, #tpu.memory_space<semaphore_mem>>)
    %dma_start3A_26 = arith.constant 384 : i32
    %dma_start3A_27 = arith.constant 0 : i32
    %dma_start3A_28 = tpu.memref_slice %arg7[%dma_start3A_26, %dma_start3A_27] : memref<1024x32xf32, #tpu.memory_space<vmem>> -> memref<128x32xf32, #tpu.memory_space<vmem>>
    %dma_start3A_29 = arith.constant 384 : i32
    %dma_start3A_30 = tpu.memref_slice %arg6[%dma_start3A_29] : memref<1024xi32, #tpu.memory_space<vmem>> -> memref<128xi32, #tpu.memory_space<vmem>>
    %dma_start3A_31 = arith.constant 0 : i32
    %dma_start3A_32 = arith.constant 0 : i32
    %dma_start3A_33 = tpu.memref_slice %arg2[%dma_start3A_31, %dma_start3A_32] : memref<8192x32xf32, #tpu.memory_space<hbm>> -> memref<8192x32xf32, #tpu.memory_space<hbm>>
    tpu.enqueue_indirect_dma source(%dma_start3A_33 : memref<8192x32xf32, #tpu.memory_space<hbm>>) target(%dma_start3A_28 : memref<128x32xf32, #tpu.memory_space<vmem>>) offsets(%dma_start3A_30 : memref<128xi32, #tpu.memory_space<vmem>>) semaphore(%arg9 : memref<!tpu.dma_semaphore, #tpu.memory_space<semaphore_mem>>)
    %dma_start3A_34 = arith.constant 512 : i32
    %dma_start3A_35 = arith.constant 0 : i32
    %dma_start3A_36 = tpu.memref_slice %arg7[%dma_start3A_34, %dma_start3A_35] : memref<1024x32xf32, #tpu.memory_space<vmem>> -> memref<128x32xf32, #tpu.memory_space<vmem>>
    %dma_start3A_37 = arith.constant 512 : i32
    %dma_start3A_38 = tpu.memref_slice %arg6[%dma_start3A_37] : memref<1024xi32, #tpu.memory_space<vmem>> -> memref<128xi32, #tpu.memory_space<vmem>>
    %dma_start3A_39 = arith.constant 0 : i32
    %dma_start3A_40 = arith.constant 0 : i32
    %dma_start3A_41 = tpu.memref_slice %arg2[%dma_start3A_39, %dma_start3A_40] : memref<8192x32xf32, #tpu.memory_space<hbm>> -> memref<8192x32xf32, #tpu.memory_space<hbm>>
    tpu.enqueue_indirect_dma source(%dma_start3A_41 : memref<8192x32xf32, #tpu.memory_space<hbm>>) target(%dma_start3A_36 : memref<128x32xf32, #tpu.memory_space<vmem>>) offsets(%dma_start3A_38 : memref<128xi32, #tpu.memory_space<vmem>>) semaphore(%arg9 : memref<!tpu.dma_semaphore, #tpu.memory_space<semaphore_mem>>)
    %dma_start3A_42 = arith.constant 640 : i32
    %dma_start3A_43 = arith.constant 0 : i32
    %dma_start3A_44 = tpu.memref_slice %arg7[%dma_start3A_42, %dma_start3A_43] : memref<1024x32xf32, #tpu.memory_space<vmem>> -> memref<128x32xf32, #tpu.memory_space<vmem>>
    %dma_start3A_45 = arith.constant 640 : i32
    %dma_start3A_46 = tpu.memref_slice %arg6[%dma_start3A_45] : memref<1024xi32, #tpu.memory_space<vmem>> -> memref<128xi32, #tpu.memory_space<vmem>>
    %dma_start3A_47 = arith.constant 0 : i32
    %dma_start3A_48 = arith.constant 0 : i32
    %dma_start3A_49 = tpu.memref_slice %arg2[%dma_start3A_47, %dma_start3A_48] : memref<8192x32xf32, #tpu.memory_space<hbm>> -> memref<8192x32xf32, #tpu.memory_space<hbm>>
    tpu.enqueue_indirect_dma source(%dma_start3A_49 : memref<8192x32xf32, #tpu.memory_space<hbm>>) target(%dma_start3A_44 : memref<128x32xf32, #tpu.memory_space<vmem>>) offsets(%dma_start3A_46 : memref<128xi32, #tpu.memory_space<vmem>>) semaphore(%arg9 : memref<!tpu.dma_semaphore, #tpu.memory_space<semaphore_mem>>)
    %dma_start3A_50 = arith.constant 768 : i32
    %dma_start3A_51 = arith.constant 0 : i32
    %dma_start3A_52 = tpu.memref_slice %arg7[%dma_start3A_50, %dma_start3A_51] : memref<1024x32xf32, #tpu.memory_space<vmem>> -> memref<128x32xf32, #tpu.memory_space<vmem>>
    %dma_start3A_53 = arith.constant 768 : i32
    %dma_start3A_54 = tpu.memref_slice %arg6[%dma_start3A_53] : memref<1024xi32, #tpu.memory_space<vmem>> -> memref<128xi32, #tpu.memory_space<vmem>>
    %dma_start3A_55 = arith.constant 0 : i32
    %dma_start3A_56 = arith.constant 0 : i32
    %dma_start3A_57 = tpu.memref_slice %arg2[%dma_start3A_55, %dma_start3A_56] : memref<8192x32xf32, #tpu.memory_space<hbm>> -> memref<8192x32xf32, #tpu.memory_space<hbm>>
    tpu.enqueue_indirect_dma source(%dma_start3A_57 : memref<8192x32xf32, #tpu.memory_space<hbm>>) target(%dma_start3A_52 : memref<128x32xf32, #tpu.memory_space<vmem>>) offsets(%dma_start3A_54 : memref<128xi32, #tpu.memory_space<vmem>>) semaphore(%arg9 : memref<!tpu.dma_semaphore, #tpu.memory_space<semaphore_mem>>)
    %dma_start3A_58 = arith.constant 896 : i32
    %dma_start3A_59 = arith.constant 0 : i32
    %dma_start3A_60 = tpu.memref_slice %arg7[%dma_start3A_58, %dma_start3A_59] : memref<1024x32xf32, #tpu.memory_space<vmem>> -> memref<128x32xf32, #tpu.memory_space<vmem>>
    %dma_start3A_61 = arith.constant 896 : i32
    %dma_start3A_62 = tpu.memref_slice %arg6[%dma_start3A_61] : memref<1024xi32, #tpu.memory_space<vmem>> -> memref<128xi32, #tpu.memory_space<vmem>>
    %dma_start3A_63 = arith.constant 0 : i32
    %dma_start3A_64 = arith.constant 0 : i32
    %dma_start3A_65 = tpu.memref_slice %arg2[%dma_start3A_63, %dma_start3A_64] : memref<8192x32xf32, #tpu.memory_space<hbm>> -> memref<8192x32xf32, #tpu.memory_space<hbm>>
    tpu.enqueue_indirect_dma source(%dma_start3A_65 : memref<8192x32xf32, #tpu.memory_space<hbm>>) target(%dma_start3A_60 : memref<128x32xf32, #tpu.memory_space<vmem>>) offsets(%dma_start3A_62 : memref<128xi32, #tpu.memory_space<vmem>>) semaphore(%arg9 : memref<!tpu.dma_semaphore, #tpu.memory_space<semaphore_mem>>)
    %dma_wait3A = arith.constant 0 : i32
    %dma_wait3A_66 = arith.constant 0 : i32
    %dma_wait3A_67 = tpu.memref_slice %arg7[%dma_wait3A, %dma_wait3A_66] : memref<1024x32xf32, #tpu.memory_space<vmem>> -> memref<128x32xf32, #tpu.memory_space<vmem>>
    %dma_wait3A_68 = arith.constant 0 : i32
    %dma_wait3A_69 = tpu.memref_slice %arg6[%dma_wait3A_68] : memref<1024xi32, #tpu.memory_space<vmem>> -> memref<128xi32, #tpu.memory_space<vmem>>
    %dma_wait3A_70 = arith.constant 0 : i32
    %dma_wait3A_71 = arith.constant 0 : i32
    %dma_wait3A_72 = tpu.memref_slice %arg2[%dma_wait3A_70, %dma_wait3A_71] : memref<8192x32xf32, #tpu.memory_space<hbm>> -> memref<8192x32xf32, #tpu.memory_space<hbm>>
    tpu.wait_indirect_dma semaphore(%arg9 : memref<!tpu.dma_semaphore, #tpu.memory_space<semaphore_mem>>) src(%dma_wait3A_72 : memref<8192x32xf32, #tpu.memory_space<hbm>>) dst(%dma_wait3A_67 : memref<128x32xf32, #tpu.memory_space<vmem>>)
    %dma_wait3A_73 = arith.constant 128 : i32
    %dma_wait3A_74 = arith.constant 0 : i32
    %dma_wait3A_75 = tpu.memref_slice %arg7[%dma_wait3A_73, %dma_wait3A_74] : memref<1024x32xf32, #tpu.memory_space<vmem>> -> memref<128x32xf32, #tpu.memory_space<vmem>>
    %dma_wait3A_76 = arith.constant 128 : i32
    %dma_wait3A_77 = tpu.memref_slice %arg6[%dma_wait3A_76] : memref<1024xi32, #tpu.memory_space<vmem>> -> memref<128xi32, #tpu.memory_space<vmem>>
    %dma_wait3A_78 = arith.constant 0 : i32
    %dma_wait3A_79 = arith.constant 0 : i32
    %dma_wait3A_80 = tpu.memref_slice %arg2[%dma_wait3A_78, %dma_wait3A_79] : memref<8192x32xf32, #tpu.memory_space<hbm>> -> memref<8192x32xf32, #tpu.memory_space<hbm>>
    tpu.wait_indirect_dma semaphore(%arg9 : memref<!tpu.dma_semaphore, #tpu.memory_space<semaphore_mem>>) src(%dma_wait3A_80 : memref<8192x32xf32, #tpu.memory_space<hbm>>) dst(%dma_wait3A_75 : memref<128x32xf32, #tpu.memory_space<vmem>>)
    %dma_wait3A_81 = arith.constant 256 : i32
    %dma_wait3A_82 = arith.constant 0 : i32
    %dma_wait3A_83 = tpu.memref_slice %arg7[%dma_wait3A_81, %dma_wait3A_82] : memref<1024x32xf32, #tpu.memory_space<vmem>> -> memref<128x32xf32, #tpu.memory_space<vmem>>
    %dma_wait3A_84 = arith.constant 256 : i32
    %dma_wait3A_85 = tpu.memref_slice %arg6[%dma_wait3A_84] : memref<1024xi32, #tpu.memory_space<vmem>> -> memref<128xi32, #tpu.memory_space<vmem>>
    %dma_wait3A_86 = arith.constant 0 : i32
    %dma_wait3A_87 = arith.constant 0 : i32
    %dma_wait3A_88 = tpu.memref_slice %arg2[%dma_wait3A_86, %dma_wait3A_87] : memref<8192x32xf32, #tpu.memory_space<hbm>> -> memref<8192x32xf32, #tpu.memory_space<hbm>>
    tpu.wait_indirect_dma semaphore(%arg9 : memref<!tpu.dma_semaphore, #tpu.memory_space<semaphore_mem>>) src(%dma_wait3A_88 : memref<8192x32xf32, #tpu.memory_space<hbm>>) dst(%dma_wait3A_83 : memref<128x32xf32, #tpu.memory_space<vmem>>)
    %dma_wait3A_89 = arith.constant 384 : i32
    %dma_wait3A_90 = arith.constant 0 : i32
    %dma_wait3A_91 = tpu.memref_slice %arg7[%dma_wait3A_89, %dma_wait3A_90] : memref<1024x32xf32, #tpu.memory_space<vmem>> -> memref<128x32xf32, #tpu.memory_space<vmem>>
    %dma_wait3A_92 = arith.constant 384 : i32
    %dma_wait3A_93 = tpu.memref_slice %arg6[%dma_wait3A_92] : memref<1024xi32, #tpu.memory_space<vmem>> -> memref<128xi32, #tpu.memory_space<vmem>>
    %dma_wait3A_94 = arith.constant 0 : i32
    %dma_wait3A_95 = arith.constant 0 : i32
    %dma_wait3A_96 = tpu.memref_slice %arg2[%dma_wait3A_94, %dma_wait3A_95] : memref<8192x32xf32, #tpu.memory_space<hbm>> -> memref<8192x32xf32, #tpu.memory_space<hbm>>
    tpu.wait_indirect_dma semaphore(%arg9 : memref<!tpu.dma_semaphore, #tpu.memory_space<semaphore_mem>>) src(%dma_wait3A_96 : memref<8192x32xf32, #tpu.memory_space<hbm>>) dst(%dma_wait3A_91 : memref<128x32xf32, #tpu.memory_space<vmem>>)
    %dma_wait3A_97 = arith.constant 512 : i32
    %dma_wait3A_98 = arith.constant 0 : i32
    %dma_wait3A_99 = tpu.memref_slice %arg7[%dma_wait3A_97, %dma_wait3A_98] : memref<1024x32xf32, #tpu.memory_space<vmem>> -> memref<128x32xf32, #tpu.memory_space<vmem>>
    %dma_wait3A_100 = arith.constant 512 : i32
    %dma_wait3A_101 = tpu.memref_slice %arg6[%dma_wait3A_100] : memref<1024xi32, #tpu.memory_space<vmem>> -> memref<128xi32, #tpu.memory_space<vmem>>
    %dma_wait3A_102 = arith.constant 0 : i32
    %dma_wait3A_103 = arith.constant 0 : i32
    %dma_wait3A_104 = tpu.memref_slice %arg2[%dma_wait3A_102, %dma_wait3A_103] : memref<8192x32xf32, #tpu.memory_space<hbm>> -> memref<8192x32xf32, #tpu.memory_space<hbm>>
    tpu.wait_indirect_dma semaphore(%arg9 : memref<!tpu.dma_semaphore, #tpu.memory_space<semaphore_mem>>) src(%dma_wait3A_104 : memref<8192x32xf32, #tpu.memory_space<hbm>>) dst(%dma_wait3A_99 : memref<128x32xf32, #tpu.memory_space<vmem>>)
    %dma_wait3A_105 = arith.constant 640 : i32
    %dma_wait3A_106 = arith.constant 0 : i32
    %dma_wait3A_107 = tpu.memref_slice %arg7[%dma_wait3A_105, %dma_wait3A_106] : memref<1024x32xf32, #tpu.memory_space<vmem>> -> memref<128x32xf32, #tpu.memory_space<vmem>>
    %dma_wait3A_108 = arith.constant 640 : i32
    %dma_wait3A_109 = tpu.memref_slice %arg6[%dma_wait3A_108] : memref<1024xi32, #tpu.memory_space<vmem>> -> memref<128xi32, #tpu.memory_space<vmem>>
    %dma_wait3A_110 = arith.constant 0 : i32
    %dma_wait3A_111 = arith.constant 0 : i32
    %dma_wait3A_112 = tpu.memref_slice %arg2[%dma_wait3A_110, %dma_wait3A_111] : memref<8192x32xf32, #tpu.memory_space<hbm>> -> memref<8192x32xf32, #tpu.memory_space<hbm>>
    tpu.wait_indirect_dma semaphore(%arg9 : memref<!tpu.dma_semaphore, #tpu.memory_space<semaphore_mem>>) src(%dma_wait3A_112 : memref<8192x32xf32, #tpu.memory_space<hbm>>) dst(%dma_wait3A_107 : memref<128x32xf32, #tpu.memory_space<vmem>>)
    %dma_wait3A_113 = arith.constant 768 : i32
    %dma_wait3A_114 = arith.constant 0 : i32
    %dma_wait3A_115 = tpu.memref_slice %arg7[%dma_wait3A_113, %dma_wait3A_114] : memref<1024x32xf32, #tpu.memory_space<vmem>> -> memref<128x32xf32, #tpu.memory_space<vmem>>
    %dma_wait3A_116 = arith.constant 768 : i32
    %dma_wait3A_117 = tpu.memref_slice %arg6[%dma_wait3A_116] : memref<1024xi32, #tpu.memory_space<vmem>> -> memref<128xi32, #tpu.memory_space<vmem>>
    %dma_wait3A_118 = arith.constant 0 : i32
    %dma_wait3A_119 = arith.constant 0 : i32
    %dma_wait3A_120 = tpu.memref_slice %arg2[%dma_wait3A_118, %dma_wait3A_119] : memref<8192x32xf32, #tpu.memory_space<hbm>> -> memref<8192x32xf32, #tpu.memory_space<hbm>>
    tpu.wait_indirect_dma semaphore(%arg9 : memref<!tpu.dma_semaphore, #tpu.memory_space<semaphore_mem>>) src(%dma_wait3A_120 : memref<8192x32xf32, #tpu.memory_space<hbm>>) dst(%dma_wait3A_115 : memref<128x32xf32, #tpu.memory_space<vmem>>)
    %dma_wait3A_121 = arith.constant 896 : i32
    %dma_wait3A_122 = arith.constant 0 : i32
    %dma_wait3A_123 = tpu.memref_slice %arg7[%dma_wait3A_121, %dma_wait3A_122] : memref<1024x32xf32, #tpu.memory_space<vmem>> -> memref<128x32xf32, #tpu.memory_space<vmem>>
    %dma_wait3A_124 = arith.constant 896 : i32
    %dma_wait3A_125 = tpu.memref_slice %arg6[%dma_wait3A_124] : memref<1024xi32, #tpu.memory_space<vmem>> -> memref<128xi32, #tpu.memory_space<vmem>>
    %dma_wait3A_126 = arith.constant 0 : i32
    %dma_wait3A_127 = arith.constant 0 : i32
    %dma_wait3A_128 = tpu.memref_slice %arg2[%dma_wait3A_126, %dma_wait3A_127] : memref<8192x32xf32, #tpu.memory_space<hbm>> -> memref<8192x32xf32, #tpu.memory_space<hbm>>
    tpu.wait_indirect_dma semaphore(%arg9 : memref<!tpu.dma_semaphore, #tpu.memory_space<semaphore_mem>>) src(%dma_wait3A_128 : memref<8192x32xf32, #tpu.memory_space<hbm>>) dst(%dma_wait3A_123 : memref<128x32xf32, #tpu.memory_space<vmem>>)
    %scan3A = arith.constant 0 : i32
    %scan3A_129 = arith.constant 0 : i32
    %scan3A_130 = arith.constant 1024 : i32
    %scan3A_131 = arith.addi %scan3A_129, %scan3A_130 : i32
    %scan3A_132 = arith.constant 1 : i32
    scf.for %scan3A_134 = %scan3A_129 to %scan3A_131 step %scan3A_132  : i32 {
      %get3A = arith.index_cast %scan3A_134 : i32 to index
      %get3A_135 = arith.constant 0 : index
      %get3A_136 = tpu.vector_load %arg8[%get3A, %get3A_135] {strides = array<i32>} : memref<1024x32xf32, #tpu.memory_space<vmem>>, vector<1x16xf32>,
      %get3A_137 = vector.shape_cast %get3A_136 : vector<1x16xf32> to vector<16xf32>
      %get3A_138 = arith.index_cast %scan3A_134 : i32 to index
      %get3A_139 = arith.constant 0 : index
      %get3A_140 = tpu.vector_load %arg7[%get3A_138, %get3A_139] {strides = array<i32>} : memref<1024x32xf32, #tpu.memory_space<vmem>>, vector<1x16xf32>,
      %get3A_141 = vector.shape_cast %get3A_140 : vector<1x16xf32> to vector<16xf32>
      %sub3A = arith.subf %get3A_141, %get3A_137 : vector<16xf32>
      %add3A_142 = arith.addf %get3A_137, %sub3A : vector<16xf32>
      %swap3A = arith.index_cast %scan3A_134 : i32 to index
      %swap3A_143 = arith.constant 0 : index
      %swap3A_144 = tpu.vector_load %arg7[%swap3A, %swap3A_143] {strides = array<i32>} : memref<1024x32xf32, #tpu.memory_space<vmem>>, vector<1x16xf32>,
      %swap3A_145 = vector.shape_cast %swap3A_144 : vector<1x16xf32> to vector<16xf32>
      %swap3A_146 = vector.shape_cast %add3A_142 : vector<16xf32> to vector<1x16xf32>
      tpu.vector_store %arg7[%swap3A, %swap3A_143], %swap3A_146 {strides = array<i32>} : memref<1024x32xf32, #tpu.memory_space<vmem>>, vector<1x16xf32>,
      %get3A_147 = arith.index_cast %scan3A_134 : i32 to index
      %get3A_148 = arith.constant 16 : index
      %get3A_149 = tpu.vector_load %arg8[%get3A_147, %get3A_148] {strides = array<i32>} : memref<1024x32xf32, #tpu.memory_space<vmem>>, vector<1x16xf32>,
      %get3A_150 = vector.shape_cast %get3A_149 : vector<1x16xf32> to vector<16xf32>
      %get3A_151 = arith.index_cast %scan3A_134 : i32 to index
      %get3A_152 = arith.constant 16 : index
      %get3A_153 = tpu.vector_load %arg7[%get3A_151, %get3A_152] {strides = array<i32>} : memref<1024x32xf32, #tpu.memory_space<vmem>>, vector<1x16xf32>,
      %get3A_154 = vector.shape_cast %get3A_153 : vector<1x16xf32> to vector<16xf32>
      %sub3A_155 = arith.subf %get3A_154, %get3A_150 : vector<16xf32>
      %add3A_156 = arith.addf %get3A_150, %sub3A_155 : vector<16xf32>
      %swap3A_157 = arith.index_cast %scan3A_134 : i32 to index
      %swap3A_158 = arith.constant 16 : index
      %swap3A_159 = tpu.vector_load %arg7[%swap3A_157, %swap3A_158] {strides = array<i32>} : memref<1024x32xf32, #tpu.memory_space<vmem>>, vector<1x16xf32>,
      %swap3A_160 = vector.shape_cast %swap3A_159 : vector<1x16xf32> to vector<16xf32>
      %swap3A_161 = vector.shape_cast %add3A_156 : vector<16xf32> to vector<1x16xf32>
      tpu.vector_store %arg7[%swap3A_157, %swap3A_158], %swap3A_161 {strides = array<i32>} : memref<1024x32xf32, #tpu.memory_space<vmem>>, vector<1x16xf32>,
    }
    %scan3A_133 = arith.constant 1024 : i32
    "tpu.region"() ({
      %run_scoped3A = tpu.sem_alloc : memref<!tpu.dma_semaphore, #tpu.memory_space<semaphore_mem>>
      %dma_start3A_134 = arith.constant 0 : i32
      %dma_start3A_135 = tpu.memref_slice %arg5[%mul3A_2, %dma_start3A_134] : memref<32768x32xf32, #tpu.memory_space<hbm>> -> memref<1024x32xf32, #tpu.memory_space<hbm>>
      %dma_start3A_136 = arith.constant 0 : i32
      %dma_start3A_137 = tpu.memref_slice %arg5[%mul3A_2, %dma_start3A_136] : memref<32768x32xf32, #tpu.memory_space<hbm>> -> memref<1024x32xf32, #tpu.memory_space<hbm>>
      tpu.enqueue_dma source(%arg7 : memref<1024x32xf32, #tpu.memory_space<vmem>>) target(%dma_start3A_137 : memref<1024x32xf32, #tpu.memory_space<hbm>>) target_semaphore(%run_scoped3A : memref<!tpu.dma_semaphore, #tpu.memory_space<semaphore_mem>>)
      %dma_wait3A_138 = arith.constant 0 : i32
      %dma_wait3A_139 = tpu.memref_slice %arg5[%mul3A_2, %dma_wait3A_138] : memref<32768x32xf32, #tpu.memory_space<hbm>> -> memref<1024x32xf32, #tpu.memory_space<hbm>>
      %dma_wait3A_140 = arith.constant 0 : i32
      %dma_wait3A_141 = tpu.memref_slice %arg5[%mul3A_2, %dma_wait3A_140] : memref<32768x32xf32, #tpu.memory_space<hbm>> -> memref<1024x32xf32, #tpu.memory_space<hbm>>
      tpu.wait_dma2 semaphore(%run_scoped3A : memref<!tpu.dma_semaphore, #tpu.memory_space<semaphore_mem>>) src(%arg7 : memref<1024x32xf32, #tpu.memory_space<vmem>>) dst(%dma_wait3A_141 : memref<1024x32xf32, #tpu.memory_space<hbm>>)
      tpu.yield
    }) : () -> ()
    return
  }
}

module attributes {stable_mosaic.version = 14 : i64} {
  func.func @_vq_tc_kernel(%arg0: i32, %arg1: memref<512x32xf32, #tpu.memory_space<vmem>>, %arg2: memref<512x1xf32, #tpu.memory_space<vmem>>, %arg3: memref<8192x32xf32, #tpu.memory_space<vmem>>, %arg4: memref<1x8192xf32, #tpu.memory_space<vmem>>, %arg5: memref<1x1x512xi32, #tpu.memory_space<vmem>>, %arg6: memref<1x1xf32, #tpu.memory_space<vmem>>) attributes {dimension_semantics = [#tpu.dimension_semantics<arbitrary>], iteration_bounds = array<i64: 64>, scalar_prefetch = 0 : i64, scratch_operands = 0 : i64, tpu.core_type = #tpu.core_type<tc>, window_params = [{transform_indices = @transform_0, window_bounds = array<i64: 512, 32>}, {transform_indices = @transform_1, window_bounds = array<i64: 512, 1>}, {pipeline_mode = #tpu.pipeline_mode<synchronous>, transform_indices = @transform_2, window_bounds = array<i64: 8192, 32>}, {pipeline_mode = #tpu.pipeline_mode<synchronous>, transform_indices = @transform_3, window_bounds = array<i64: 1, 8192>}, {transform_indices = @transform_4, window_bounds = array<i64: 1, 1, 512>}, {pipeline_mode = #tpu.pipeline_mode<synchronous>, transform_indices = @transform_5, window_bounds = array<i64: 1, 1>}]} {
    %get3A = arith.constant 0 : index
    %get3A_0 = arith.constant 0 : index
    %get3A_1 = vector.load %arg1[%get3A, %get3A_0] : memref<512x32xf32, #tpu.memory_space<vmem>>, vector<512x32xf32>
    %get3A_2 = arith.constant 0 : index
    %get3A_3 = arith.constant 0 : index
    %get3A_4 = vector.load %arg3[%get3A_2, %get3A_3] : memref<8192x32xf32, #tpu.memory_space<vmem>>, vector<8192x32xf32>
    %convert_element_type3A = arith.truncf %get3A_1 : vector<512x32xf32> to vector<512x32xbf16>
    %convert_element_type3A_5 = arith.extf %convert_element_type3A : vector<512x32xbf16> to vector<512x32xf32>
    %get3A_6 = arith.constant 0 : index
    %get3A_7 = arith.constant 0 : index
    %get3A_8 = vector.load %arg2[%get3A_6, %get3A_7] : memref<512x1xf32, #tpu.memory_space<vmem>>, vector<512x1xf32>
    %get3A_9 = arith.constant 0 : index
    %get3A_10 = arith.constant 0 : index
    %get3A_11 = vector.load %arg4[%get3A_9, %get3A_10] : memref<1x8192xf32, #tpu.memory_space<vmem>>, vector<1x8192xf32>
    %dot_general3A = arith.constant dense<0.000000e+00> : vector<512x8192xf32>
    %dot_general3A_12 = tpu.matmul %convert_element_type3A_5, %get3A_4, %dot_general3A {dimension_numbers = #tpu.dot_dimension_numbers<[1], [1], [0], [0], [0, 0, 1, 0], [], []>, transpose_lhs_hint = false} : vector<512x32xf32>, vector<8192x32xf32>, vector<512x8192xf32> -> vector<512x8192xf32>
    %add3A = vector.broadcast %get3A_8 : vector<512x1xf32> to vector<512x8192xf32>
    %add3A_13 = vector.broadcast %get3A_11 : vector<1x8192xf32> to vector<512x8192xf32>
    %add3A_14 = arith.addf %add3A, %add3A_13 : vector<512x8192xf32>
    %sub3A = arith.subf %add3A_14, %dot_general3A_12 : vector<512x8192xf32>
    %slice3A = vector.extract_strided_slice %sub3A {offsets = [0, 0], sizes = [512, 4096], strides = [1, 1]} : vector<512x8192xf32> to vector<512x4096xf32>
    %slice3A_15 = vector.extract_strided_slice %sub3A {offsets = [0, 4096], sizes = [512, 4096], strides = [1, 1]} : vector<512x8192xf32> to vector<512x4096xf32>
    %reduce_min3A = arith.constant dense<0x7F800000> : vector<512xf32>
    %reduce_min3A_16 = vector.multi_reduction <minimumf>, %slice3A, %reduce_min3A [1] : vector<512x4096xf32> to vector<512xf32>
    %broadcast_in_dim3A = vector.shape_cast %reduce_min3A_16 : vector<512xf32> to vector<512x1xf32>
    %reduce_min3A_17 = arith.constant dense<0x7F800000> : vector<512xf32>
    %reduce_min3A_18 = vector.multi_reduction <minimumf>, %slice3A_15, %reduce_min3A_17 [1] : vector<512x4096xf32> to vector<512xf32>
    %broadcast_in_dim3A_19 = vector.shape_cast %reduce_min3A_18 : vector<512xf32> to vector<512x1xf32>
    %iota3A = tpu.iota {dimensions = array<i32: 1>} : vector<512x4096xi32>
    %eq3A = vector.broadcast %broadcast_in_dim3A : vector<512x1xf32> to vector<512x4096xf32>
    %eq3A_20 = arith.cmpf oeq, %slice3A, %eq3A : vector<512x4096xf32>
    %jit3A = arith.constant 4096 : i32
    %broadcast_in_dim3A_21 = vector.broadcast %jit3A : i32 to vector<512x4096xi32>
    %select_n3A = arith.select %eq3A_20, %iota3A, %broadcast_in_dim3A_21 : vector<512x4096xi1>, vector<512x4096xi32>
    %reduce_min3A_22 = arith.constant dense<2147483647> : vector<512xi32>
    %reduce_min3A_23 = vector.multi_reduction <minsi>, %select_n3A, %reduce_min3A_22 [1] : vector<512x4096xi32> to vector<512xi32>
    %eq3A_24 = vector.broadcast %broadcast_in_dim3A_19 : vector<512x1xf32> to vector<512x4096xf32>
    %eq3A_25 = arith.cmpf oeq, %slice3A_15, %eq3A_24 : vector<512x4096xf32>
    %jit3A_26 = arith.constant 4096 : i32
    %broadcast_in_dim3A_27 = vector.broadcast %jit3A_26 : i32 to vector<512x4096xi32>
    %select_n3A_28 = arith.select %eq3A_25, %iota3A, %broadcast_in_dim3A_27 : vector<512x4096xi1>, vector<512x4096xi32>
    %reduce_min3A_29 = arith.constant dense<2147483647> : vector<512xi32>
    %reduce_min3A_30 = vector.multi_reduction <minsi>, %select_n3A_28, %reduce_min3A_29 [1] : vector<512x4096xi32> to vector<512xi32>
    %add3A_31 = arith.constant 4096 : i32
    %add3A_32 = vector.broadcast %add3A_31 : i32 to vector<512xi32>
    %add3A_33 = arith.addi %reduce_min3A_30, %add3A_32 : vector<512xi32>
    %squeeze3A = vector.shape_cast %broadcast_in_dim3A : vector<512x1xf32> to vector<512xf32>
    %convert_element_type3A_34 = arith.truncf %squeeze3A : vector<512xf32> to vector<512xbf16>
    %convert_element_type3A_35 = arith.extf %convert_element_type3A_34 : vector<512xbf16> to vector<512xf32>
    %squeeze3A_36 = vector.shape_cast %broadcast_in_dim3A_19 : vector<512x1xf32> to vector<512xf32>
    %lt3A = arith.cmpf olt, %squeeze3A_36, %convert_element_type3A_35 : vector<512xf32>
    %select_n3A_37 = arith.select %lt3A, %add3A_33, %reduce_min3A_23 : vector<512xi1>, vector<512xi32>
    %reshape3A = vector.shape_cast %select_n3A_37 : vector<512xi32> to vector<1x1x512xi32>
    %swap3A = arith.constant 0 : index
    %swap3A_38 = arith.constant 0 : index
    %swap3A_39 = arith.constant 0 : index
    %swap3A_40 = vector.load %arg5[%swap3A, %swap3A_38, %swap3A_39] : memref<1x1x512xi32, #tpu.memory_space<vmem>>, vector<1x1x512xi32>
    tpu.vector_store %arg5[%swap3A, %swap3A_38, %swap3A_39], %reshape3A {strides = array<i32>} : memref<1x1x512xi32, #tpu.memory_space<vmem>>, vector<1x1x512xi32>,
    %squeeze3A_41 = vector.shape_cast %broadcast_in_dim3A_19 : vector<512x1xf32> to vector<512xf32>
    %squeeze3A_42 = vector.shape_cast %broadcast_in_dim3A : vector<512x1xf32> to vector<512xf32>
    %select_n3A_43 = arith.select %lt3A, %squeeze3A_41, %squeeze3A_42 : vector<512xi1>, vector<512xf32>
    %eq3A_44 = arith.constant 0 : i32
    %eq3A_45 = arith.cmpi eq, %arg0, %eq3A_44 : i32
    %convert_element_type3A_46 = arith.extui %eq3A_45 : i1 to i32
    %cond3A = arith.constant 0 : i32
    %cond3A_47 = arith.cmpi ne, %convert_element_type3A_46, %cond3A : i32
    scf.if %cond3A_47 {
      %broadcast_in_dim3A_66 = arith.constant 0.000000e+00 : f32
      %broadcast_in_dim3A_67 = vector.broadcast %broadcast_in_dim3A_66 : f32 to vector<1x1xf32>
      %swap3A_68 = arith.constant 0 : index
      %swap3A_69 = arith.constant 0 : index
      %swap3A_70 = vector.load %arg6[%swap3A_68, %swap3A_69] : memref<1x1xf32, #tpu.memory_space<vmem>>, vector<1x1xf32>
      tpu.vector_store %arg6[%swap3A_68, %swap3A_69], %broadcast_in_dim3A_67 {strides = array<i32>} : memref<1x1xf32, #tpu.memory_space<vmem>>, vector<1x1xf32>,
    } else {
    }
    %get3A_48 = arith.constant 0 : index
    %get3A_49 = arith.constant 0 : index
    %get3A_50 = vector.load %arg6[%get3A_48, %get3A_49] : memref<1x1xf32, #tpu.memory_space<vmem>>, vector<1x1xf32>
    %reduce_sum3A = vector.shape_cast %select_n3A_43 : vector<512xf32> to vector<1x512xf32>
    %reduce_sum3A_51 = arith.constant dense<0.000000e+00> : vector<1xf32>
    %reduce_sum3A_52 = vector.multi_reduction <add>, %reduce_sum3A, %reduce_sum3A_51 [1] : vector<1x512xf32> to vector<1xf32>
    %reduce_sum3A_53 = vector.shape_cast %reduce_sum3A_52 : vector<1xf32> to vector<1x1xf32>
    %reduce_sum3A_54 = vector.extract %reduce_sum3A_53[0, 0] : f32 from vector<1x1xf32>
    %broadcast_in_dim3A_55 = vector.broadcast %reduce_sum3A_54 : f32 to vector<1xf32>
    %reshape3A_56 = vector.shape_cast %broadcast_in_dim3A_55 : vector<1xf32> to vector<1x1xf32>
    %add3A_57 = arith.addf %get3A_50, %reshape3A_56 : vector<1x1xf32>
    %swap3A_58 = arith.constant 0 : index
    %swap3A_59 = arith.constant 0 : index
    %swap3A_60 = vector.load %arg6[%swap3A_58, %swap3A_59] : memref<1x1xf32, #tpu.memory_space<vmem>>, vector<1x1xf32>
    tpu.vector_store %arg6[%swap3A_58, %swap3A_59], %add3A_57 {strides = array<i32>} : memref<1x1xf32, #tpu.memory_space<vmem>>, vector<1x1xf32>,
    %eq3A_61 = arith.constant 63 : i32
    %eq3A_62 = arith.cmpi eq, %arg0, %eq3A_61 : i32
    %convert_element_type3A_63 = arith.extui %eq3A_62 : i1 to i32
    %cond3A_64 = arith.constant 0 : i32
    %cond3A_65 = arith.cmpi ne, %convert_element_type3A_63, %cond3A_64 : i32
    scf.if %cond3A_65 {
      %get3A_66 = arith.constant 0 : index
      %get3A_67 = arith.constant 0 : index
      %get3A_68 = vector.load %arg6[%get3A_66, %get3A_67] : memref<1x1xf32, #tpu.memory_space<vmem>>, vector<1x1xf32>
      %mul3A = arith.constant 2.38418579E-7 : f32
      %mul3A_69 = vector.broadcast %mul3A : f32 to vector<1x1xf32>
      %mul3A_70 = arith.mulf %get3A_68, %mul3A_69 : vector<1x1xf32>
      %swap3A_71 = arith.constant 0 : index
      %swap3A_72 = arith.constant 0 : index
      %swap3A_73 = vector.load %arg6[%swap3A_71, %swap3A_72] : memref<1x1xf32, #tpu.memory_space<vmem>>, vector<1x1xf32>
      tpu.vector_store %arg6[%swap3A_71, %swap3A_72], %mul3A_70 {strides = array<i32>} : memref<1x1xf32, #tpu.memory_space<vmem>>, vector<1x1xf32>,
    } else {
    }
    return
  }
  func.func @transform_0(%arg0: i32) -> (i32, i32) {
    %c0_i32 = arith.constant 0 : i32
    %c0_i32_0 = arith.constant 0 : i32
    return %arg0, %c0_i32 : i32, i32
  }
  func.func @transform_1(%arg0: i32) -> (i32, i32) {
    %c0_i32 = arith.constant 0 : i32
    %c0_i32_0 = arith.constant 0 : i32
    return %arg0, %c0_i32 : i32, i32
  }
  func.func @transform_2(%arg0: i32) -> (i32, i32) {
    %c0_i32 = arith.constant 0 : i32
    %c0_i32_0 = arith.constant 0 : i32
    %c0_i32_1 = arith.constant 0 : i32
    return %c0_i32, %c0_i32_0 : i32, i32
  }
  func.func @transform_3(%arg0: i32) -> (i32, i32) {
    %c0_i32 = arith.constant 0 : i32
    %c0_i32_0 = arith.constant 0 : i32
    %c0_i32_1 = arith.constant 0 : i32
    return %c0_i32, %c0_i32_0 : i32, i32
  }
  func.func @transform_4(%arg0: i32) -> (i32, i32, i32) {
    %c0_i32 = arith.constant 0 : i32
    %c0_i32_0 = arith.constant 0 : i32
    %c0_i32_1 = arith.constant 0 : i32
    return %arg0, %c0_i32, %c0_i32_0 : i32, i32, i32
  }
  func.func @transform_5(%arg0: i32) -> (i32, i32) {
    %c0_i32 = arith.constant 0 : i32
    %c0_i32_0 = arith.constant 0 : i32
    %c0_i32_1 = arith.constant 0 : i32
    return %c0_i32, %c0_i32_0 : i32, i32
  }
}

</mosaic_0001>

<sc_bundles>
// kernel: kernel.4.cloned.1.call-start
scs
__scs_entry_jumppad:
0x0: {  	(pc) =	sbr.rel $0x88, $3  }
0x1: {  	(tag) =	ssettag $0x0;
	lr =	simm.s32 $0x1  }
0x2: {  	[smem:$0x3F9F] =	sst lr;
	_ =	strace $0xD0000000  }
0x3: {  	_ = 	snop  }
0x4: {  	_ = 	snop  }
0x5: {  	_ = 	snop  }
0x6: {  	_ = 	snop  }
0x7: {  	_ = 	snop  }
__scs_overlays_trampoline_lowered:
0x8: {  	[smem:$0x3FAE] =	sst s0  }
0x9: {  	[smem:$0x3FAF] =	sst s1  }
0xa: {  	[smem:$0x3FB0] =	sst s2  }
0xb: {  	[smem:$0x3FB1] =	sst s3  }
0xc: {  	[smem:$0x3FB2] =	sst s4  }
0xd: {  	[smem:$0x3FB3] =	sst s5  }
0xe: {  	[smem:$0x3FB4] =	sst s6  }
0xf: {  	[smem:$0x3FB5] =	sst s7  }
0x10: {  	[smem:$0x3FB6] =	sst s8  }
0x11: {  	[smem:$0x3FB7] =	sst s9;
	s0 =	simm.s32 @!p0 $0x0  }
0x12: {  	s1 =	sld [smem:$0x3F9D];
	s0 =	simm.s32 @p0 $0x1  }
0x13: {  	[smem:$0x3FB8] =	sst s0;
	s0 =	simm.s32 @!p1 $0x0  }
0x14: {  	s2 =	sld [smem:$0x3F9C];
	s0 =	simm.s32 @p1 $0x1  }
0x15: {  	[smem:$0x3FB9] =	sst s0;
	s0 =	simm.s32 @!p2 $0x0  }
0x16: {  	s3 =	sld [smem:$0x3FDB];
	s0 =	simm.s32 @p2 $0x1  }
0x17: {  	s4 =	simm.s32 $0x1BF5;
	[smem:$0x3FBB] =	sst s0  }
0x18: {  	s0 =	sld [smem:$0x3F9E];
	_ =	swait.ge [sflag:s4], $0x0  }
0x19: {  	s7 =	sld [smem:$0x3F9F]  }
0x1a: {  	s8 =	sadd.s32 $0xFFFFE003, lr  }
0x1b: {  	s9 =	sadd.s32 $0xFFFFFEF7, lr;
	s5 =	simm.s32 $0xFFFFFFFF;
	p2 =	slt.u32 s8, $0xFFFFF086  }
0x1c: {  	p1 =	slt.u32 s9, $0xF7A;
	s5 =	simm.s32 @!p2 $0x0  }
0x1d: {  	s5 =	simm.s32 @p1 $0x1;
	p0 =	seq.s32 s7, s2  }
0x1e: {  	s7 =	smul.u32 @!p0 $0xF7A, s2;
	p2 =	seq.s32 @!p0 s5, $0x0  }
0x1f: {  	s9 =	smul.u32 $0xF7A, s1;
	s8 =	simm.s32 @!p0 $0x1BF5;
	p2 =	por !p2, p0  }
0x20: {  	[sflag:s8] =	ssyncset.s32 @!p0 $0xFFFFF086;
	s6 =	sadd.s32 @!p0 s3, s7;
	s7 =	simm.s32 @!p0 $0x108  }
0x21: {  	s3 =	sadd.s32 s3, s9;
	s6 =	sadd.s32 @!p0 $0x88, s6;
	s7 =	simm.s32 @p2 $0x1082  }
0x22: {  	[simem:s7], [sflag:s8] =	dma.local @!p0 [hbm:s6], $0xF7A  }
0x23: {  	s9 =	sor.u32 $0xD0000000, s2;
	s6 =	simm.s32 $0x108;
	_ =	swait.ge @!p0 [sflag:s8], $0x0  }
0x24: {  	s3 =	sadd.s32 $0x88, s3;
	s6 =	simm.s32 @!p1 $0x1082;
	[sflag:s4] =	ssyncset.s32 $0xFFFFF086  }
0x25: {  	[simem:s6], [sflag:s4] =	dma.local [hbm:s3], $0xF7A  }
0x26: {  	[smem:$0x3F9F] =	sst s1;
	(tag) =	ssettag s2;
	_ =	strace s9  }
0x27: {  	s1 =	sld [smem:$0x3FAF]  }
0x28: {  	s2 =	sld [smem:$0x3FB0]  }
0x29: {  	s4 =	sld [smem:$0x3FB2]  }
0x2a: {  	p0 =	seq.s32 s5, $0x0;
	s5 =	sld [smem:$0x3FB3]  }
0x2b: {  	s6 =	sld [smem:$0x3FB4]  }
0x2c: {  	s7 =	sld [smem:$0x3FB5]  }
0x2d: {  	s3 =	simm.s32 $0x108;
	s8 =	sld [smem:$0x3FB6]  }
0x2e: {  	s3 =	simm.s32 @!p0 $0x1082;
	s9 =	sld [smem:$0x3FB7]  }
0x2f: {  	lr =	sadd.s32 s0, s3;
	s0 =	sld [smem:$0x3FAE]  }
0x30: {  	s3 =	sld [smem:$0x3FB1]  }
0x31: {  	[smem:$0x3FBA] =	sst s10  }
0x32: {  	s10 =	sld [smem:$0x3FB8];
	_ =	sdelay $0x3  }
0x33: {  	p0 =	seq.s32 s10, $0x1;
	s10 =	sld [smem:$0x3FBA];
	_ =	sdelay $0x3  }
0x34: {  	[smem:$0x3FBA] =	sst s10  }
0x35: {  	s10 =	sld [smem:$0x3FB9];
	_ =	sdelay $0x3  }
0x36: {  	p1 =	seq.s32 s10, $0x1;
	s10 =	sld [smem:$0x3FBA];
	_ =	sdelay $0x3  }
0x37: {  	[smem:$0x3FBA] =	sst s10  }
0x38: {  	s10 =	sld [smem:$0x3FBB]  }
0x39: {  	_ = 	snop;
	(pc) =	sbr.ind lr, $3  }
0x3a: {  	_ = 	snop  }
0x3b: {  	_ = 	snop  }
0x3c: {  	p2 =	seq.s32 s10, $0x1;
	s10 =	sld [smem:$0x3FBA]  }
0x3d: {  	_ =	shalt  }
0x3e: {  	_ =	shalt  }
0x3f: {  	_ =	shalt  }
0x40: {  	_ =	shalt  }
0x41: {  	_ =	shalt  }
0x42: {  	_ =	shalt  }
0x43: {  	_ =	shalt  }
0x44: {  	_ =	shalt  }
0x45: {  	_ =	shalt  }
0x46: {  	_ =	shalt  }
0x47: {  	_ =	shalt  }
0x48: {  	_ =	shalt  }
0x49: {  	_ =	shalt  }
0x4a: {  	_ =	shalt  }
0x4b: {  	_ =	shalt  }
0x4c: {  	_ =	shalt  }
0x4d: {  	_ =	shalt  }
0x4e: {  	_ =	shalt  }
0x4f: {  	_ =	shalt  }
0x50: {  	_ =	shalt  }
0x51: {  	_ =	shalt  }
0x52: {  	_ =	shalt  }
0x53: {  	_ =	shalt  }
0x54: {  	_ =	shalt  }
0x55: {  	_ =	shalt  }
0x56: {  	_ =	shalt  }
0x57: {  	_ =	shalt  }
0x58: {  	_ =	shalt  }
0x59: {  	_ =	shalt  }
0x5a: {  	_ =	shalt  }
0x5b: {  	_ =	shalt  }
0x5c: {  	_ =	shalt  }
0x5d: {  	_ =	shalt  }
0x5e: {  	_ =	shalt  }
0x5f: {  	_ =	shalt  }
0x60: {  	_ =	shalt  }
0x61: {  	_ =	shalt  }
0x62: {  	_ =	shalt  }
0x63: {  	_ =	shalt  }
0x64: {  	_ =	shalt  }
0x65: {  	_ =	shalt  }
0x66: {  	_ =	shalt  }
0x67: {  	_ =	shalt  }
0x68: {  	_ =	shalt  }
0x69: {  	_ =	shalt  }
0x6a: {  	_ =	shalt  }
0x6b: {  	_ =	shalt  }
0x6c: {  	_ =	shalt  }
0x6d: {  	_ =	shalt  }
0x6e: {  	_ =	shalt  }
0x6f: {  	_ =	shalt  }
0x70: {  	_ =	shalt  }
0x71: {  	_ =	shalt  }
0x72: {  	_ =	shalt  }
0x73: {  	_ =	shalt  }
0x74: {  	_ =	shalt  }
0x75: {  	_ =	shalt  }
0x76: {  	_ =	shalt  }
0x77: {  	_ =	shalt  }
0x78: {  	_ =	shalt  }
0x79: {  	_ =	shalt  }
0x7a: {  	_ =	shalt  }
0x7b: {  	_ =	shalt  }
0x7c: {  	_ =	shalt  }
0x7d: {  	_ =	shalt  }
0x7e: {  	_ =	shalt  }
0x7f: {  	_ =	shalt  }
0x80: {  	_ =	shalt  }
0x81: {  	_ =	shalt  }
0x82: {  	_ =	shalt  }
0x83: {  	_ =	shalt  }
0x84: {  	_ =	shalt  }
0x85: {  	_ =	shalt  }
0x86: {  	_ =	shalt  }
0x87: {  	_ =	shalt  }
.Lfunc_end0:
.L_simem_size_0:
called_computation_lowered:
.L_overlay_start_0:
0x88: {  	s2 =	sld [smem:$0x3FD9]  }
0x89: {  	s3 =	sld [smem:$0x3FFE];
	_ =	sdelay $0x1  }
0x8a: {  	s1 =	srdreg.scid  }
0x8b: {  	s0 =	sand.u32 $0x1, s1  }
0x8c: {  	s14 =	sshll.u32 s0, $0xA;
	s2 =	sadd.s32 s3, s2  }
0x8d: {  	s2 =	sadd.s32 s2, s14  }
0x8e: {  	[smem:$0x3FC6] =	sst s2  }
0x8f: {  	_ = 	snop  }
0x90: {  	s2 =	sld [smem:$0x3FD0];
	_ =	sdelay $0x2  }
0x91: {  	s15 =	simm.s32 $0xA;
	s4 =	simm.s32 $0x10  }
0x92: {  	[smem:s4], [sflag:s15] =	dma.local [hbm:s2], $0x1  }
0x93: {  	_ =	swait.eq [sflag:s15], $0x1  }
0x94: {  	[sflag:s15] =	ssyncset.done $0x0  }
0x95: {  	[sflag:s15] =	ssyncadd.s32 $0xFFFFFFFF  }
0x96: {  	s16 =	sld [smem:$0x10];
	(tm) =	ssettm $0x1  }
0x97: {  	s17 =	sld [smem:$0x3FFB];
	_ =	sdelay $0x3  }
0x98: {  	_ =	strace s17  }
0x99: {  	s3 =	sld [smem:$0x3FFC];
	_ =	sdelay $0x3  }
0x9a: {  	_ =	strace s3  }
0x9b: {  	s3 =	sld [smem:$0x3FFD];
	_ =	sdelay $0x3  }
0x9c: {  	_ =	strace s3  }
0x9d: {  	_ =	strace $0x8FFFFFFF  }
0x9e: {  	s18 =	sld [smem:$0x3FDB];
	_ =	sdelay $0x1  }
0x9f: {  	s19 =	simm.s32 $_scs_section_size  }
0xa0: {  	s5 =	simm.s32 $_size__tile_overlayer_lowered;
	s6 =	simm.s32 $_tile_overlayer_lowered  }
0xa1: {  	s22 =	simm.s32 $0x1BFF;
	s21 =	sshll.u32 s6, $0x1;
	s3 =	sadd.s32 s19, s18  }
0xa2: {  	s7 =	simm.s32 $0x0;
	s20 =	sshll.u32 s5, $0x1;
	s5 =	sadd.s32 s21, s3  }
0xa3: {  	[timem:s7], [sflag:s22] =	dma.local [hbm:s5], s20  }
0xa4: {  	_ =	swait.ge [sflag:s22], s20  }
0xa5: {  	s4 =	ssub.s32 $0x0, s20;
	[sflag:s22] =	ssyncset.done $0x0  }
0xa6: {  	[sflag:s22] =	ssyncadd.s32 s4;
	_ =	sdelay $0x1  }
0xa7: {  	s23 =	simm.s32 $0x1B8B  }
0xa8: {  	_ =	swait.ge [sflag:s23], $0x1  }
0xa9: {  	[sflag:s23] =	ssyncset.done $0x0  }
0xaa: {  	s25 =	simm.s32 $0x1B8E;
	s24 =	sld [smem:$0x3FFE];
	[sflag:s23] =	ssyncadd.s32 $0xFFFFFFFF  }
0xab: {  	s26 =	simm.s32 $execute0_lowered;
	[smem:$0x3FD2] =	sst s25  }
0xac: {  	s5 =	sshll.u32 s26, $0x1;
	_ =	strace $0x80000046;
	[dreg:$0x1] =	wrdreg $0xFFFFFFFF  }
0xad: {  	s28 =	simm.s32 $_size_execute0_lowered;
	s3 =	sadd.s32 s3, s5;
	[dreg:$0x0] =	wrdreg $0x0  }
0xae: {  	s5 =	sshll.u32 s28, $0x1;
	[dreg:$0x2] =	wrdreg s3  }
0xaf: {  	[dreg:$0x3] =	wrdreg s5  }
0xb0: {  	[dreg:$0x4] =	wrdreg $0xC0  }
0xb1: {  	_ =	task [dreg:s7], $0x5FFFF  }
0xb2: {  	[dreg:$0x1] =	wrdreg $0xFFFFFFFF  }
0xb3: {  	[dreg:$0x0] =	wrdreg $0x60  }
0xb4: {  	[dreg:$0x2] =	wrdreg s24  }
0xb5: {  	[dreg:$0x3] =	wrdreg s16  }
0xb6: {  	[dreg:$0x4] =	wrdreg $0x9  }
0xb7: {  	_ =	task.clear_ibuf [dreg:s7], $0x5FFFF;
	_ =	strace $0x90000046  }
0xb8: {  	s29 =	simm.s32 $0x9;
	_ =	strace $0x80000048  }
0xb9: {  	_ =	swait.ge [sflag:s29], $0x1  }
0xba: {  	[sflag:s29] =	ssyncadd.s32 $0xFFFFFFFF  }
0xbb: {  	_ =	strace $0x90000048  }
0xbc: {  	_ =	sfence  }
0xbd: {  	s30 =	sld [smem:$0x0];
	_ =	sdelay $0x2  }
0xbe: {  	s31 =	sshll.u32 s1, $0xD;
	s1 =	sshrl.u32 s1, $0x2  }
0xbf: {  	s3 =	sand.u32 $0x4000, s31;
	s1 =	sadd.s32 s1, s30  }
0xc0: {  	s0 =	sor.u32 s3, s0;
	s1 =	sshll.u32 s1, $0x11  }
0xc1: {  	s0 =	sor.u32 s1, s0  }
0xc2: {  	s0 =	sadd.s32 $0x8F2B, s0  }
0xc3: {  	[sflag:s0] =	ssyncadd.remote.s32 $0x1  }
0xc4: {  	_ =	sfence.sel $0xFFFF  }
0xc5: {  	[dreg:$0x0] =	wrdreg $0xFFFFFFFF;
	(pc) =	sbr.abs _section_cstart, $3  }
0xc6: {  	[dreg:$0x1] =	wrdreg $0xFFFFFFFF  }
0xc7: {  	_ =	task.clear_ibuf [dreg:s7], $0x2FFFF;
	_ =	strace $0x9FFFFFFF  }
0xc8: {  	(tm) =	ssettm $0x7FFFFFFF  }
0xc9: {  	_ =	shalt  }
tec
execute0_lowered:
.L_overlay_start_1:
0x0: {  	(tag) =	ssettag $0x1  }
0x1: {  	s4 =	rddreg [dreg:$0x0]  }
0x2: {  	s5 =	rddreg [dreg:$0x1]  }
0x3: {  	s0 =	rddreg [dreg:$0x2];
	s3 =	srdreg.scid  }
0x4: {  	s2 =	simm.s32 $0x0;
	s1 =	stileid.u32;
	s11 =	simm.s32 $0x400  }
0x5: {  	s12 =	simm.s32 $0x1400;
	s13 =	simm.s32 $0x100;
	s14 =	simm.s32 $0x2400  }
0x6: {  	s15 =	simm.s32 $0x180;
	s16 =	simm.s32 $0x3400;
	s17 =	simm.s32 $0x200  }
0x7: {  	s18 =	simm.s32 $0x4400;
	s19 =	simm.s32 $0x280;
	s20 =	simm.s32 $0x5400  }
0x8: {  	s21 =	simm.s32 $0x300;
	s22 =	simm.s32 $0x6400;
	s23 =	simm.s32 $0x380  }
0x9: {  	s24 =	simm.s32 $0x7400;
	s25 =	simm.s32 $0x1;
	s26 =	simm.s32 $0x0  }
0xa: {  	s6 =	sand.u32 $0x1, s3;
	[smem:$0x7FF] =	sst s2;
	s7 =	sshll.u32 s1, $0xB  }
0xb: {  	s3 =	sadd.s32 $0x100400, s4;
	s8 =	sshll.u32 s6, $0xA;
	s6 =	ssub.s32 $0x2, s6  }
0xc: {  	_ =	strace $0x80000047;
	s7 =	sor.u32 s8, s7;
	s31 =	sshrl.u32 s6, $0x1  }
0xd: {  	s8 =	sshrl.u32 s7, $0x3;
	s7 =	sshll.u32 s7, $0x2;
	s10 =	ssub.s32 s6, s31  }
0xe: {  	s8 =	sadd.s32 s8, s4;
	s9 =	sadd.s32 s7, s4;
	s5 =	sadd.s32 s5, s7  }
0xf: {  	s7 =	smax.u32 s10, $0x1;
	s10 =	simm.s32 $0x80;
	s4 =	sadd.s32 $0x400, s8  }
0x10: {  	s6 =	sadd.s32 $0x1400, s9;
	s8 =	simm.s32 $0x2;
	s9 =	simm.s32 $0x8400  }
.LBB2_1:
0x11: {  	[tilespmem:s2], [sflag:$0x2] =	stream.linear.gather [hbm4b:s4+s2], $0x400, $0x38;
	[tilespmem:$0x10400] =	vst v63  }
0x12: {  	_ =	swait.ge [sflag:s8], $0x400  }
0x13: {  	[sflag:s8] =	ssyncset.done $0x0  }
0x14: {  	[sflag:s8] =	ssyncadd.s32 $0xFFFFFC00  }
0x15: {  	[tilespmem:s9], [sflag:$0x2] =	stream.linear.gather [hbm4b:s5+s2], $0x8000, $0x38;
	[tilespmem:$0x10400] =	vst v63  }
0x16: {  	_ =	swait.ge [sflag:s8], $0x8000  }
0x17: {  	[sflag:s8] =	ssyncset.done $0x0  }
0x18: {  	[sflag:s8] =	ssyncadd.s32 $0xFFFF8000  }
0x19: {  	[tilespmem:s11], [sflag:$0x1] =	stream.indirect.gather [hbm4b:s3+s10], $0x20, s2, s10, $0xb8;
	[tilespmem:$0x10400] =	vst v63  }
0x1a: {  	_ = 	snop  }
0x1b: {  	[tilespmem:s12], [sflag:$0x1] =	stream.indirect.gather [hbm4b:s3+s10], $0x20, s10, s10, $0xb8;
	[tilespmem:$0x10400] =	vst v63  }
0x1c: {  	_ = 	snop  }
0x1d: {  	[tilespmem:s14], [sflag:$0x1] =	stream.indirect.gather [hbm4b:s3+s10], $0x20, s13, s10, $0xb8;
	[tilespmem:$0x10400] =	vst v63  }
0x1e: {  	_ = 	snop  }
0x1f: {  	[tilespmem:s16], [sflag:$0x1] =	stream.indirect.gather [hbm4b:s3+s10], $0x20, s15, s10, $0xb8;
	[tilespmem:$0x10400] =	vst v63  }
0x20: {  	_ = 	snop  }
0x21: {  	[tilespmem:s18], [sflag:$0x1] =	stream.indirect.gather [hbm4b:s3+s10], $0x20, s17, s10, $0xb8;
	[tilespmem:$0x10400] =	vst v63  }
0x22: {  	_ = 	snop  }
0x23: {  	[tilespmem:s20], [sflag:$0x1] =	stream.indirect.gather [hbm4b:s3+s10], $0x20, s19, s10, $0xb8;
	[tilespmem:$0x10400] =	vst v63  }
0x24: {  	_ = 	snop  }
0x25: {  	[tilespmem:s22], [sflag:$0x1] =	stream.indirect.gather [hbm4b:s3+s10], $0x20, s21, s10, $0xb8;
	[tilespmem:$0x10400] =	vst v63  }
0x26: {  	_ = 	snop  }
0x27: {  	[tilespmem:s24], [sflag:$0x1] =	stream.indirect.gather [hbm4b:s3+s10], $0x20, s23, s10, $0xb8;
	[tilespmem:$0x10400] =	vst v63  }
0x28: {  	_ =	swait.ge [sflag:s25], $0x1000  }
0x29: {  	[sflag:s25] =	ssyncset.done $0x0  }
0x2a: {  	[sflag:s25] =	ssyncadd.s32 $0xFFFFF000  }
0x2b: {  	_ =	swait.ge [sflag:s25], $0x1000  }
0x2c: {  	[sflag:s25] =	ssyncset.done $0x0  }
0x2d: {  	[sflag:s25] =	ssyncadd.s32 $0xFFFFF000  }
0x2e: {  	_ =	swait.ge [sflag:s25], $0x1000  }
0x2f: {  	[sflag:s25] =	ssyncset.done $0x0  }
0x30: {  	[sflag:s25] =	ssyncadd.s32 $0xFFFFF000  }
0x31: {  	_ =	swait.ge [sflag:s25], $0x1000  }
0x32: {  	[sflag:s25] =	ssyncset.done $0x0  }
0x33: {  	[sflag:s25] =	ssyncadd.s32 $0xFFFFF000  }
0x34: {  	_ =	swait.ge [sflag:s25], $0x1000  }
0x35: {  	[sflag:s25] =	ssyncset.done $0x0  }
0x36: {  	[sflag:s25] =	ssyncadd.s32 $0xFFFFF000  }
0x37: {  	_ =	swait.ge [sflag:s25], $0x1000  }
0x38: {  	[sflag:s25] =	ssyncset.done $0x0  }
0x39: {  	[sflag:s25] =	ssyncadd.s32 $0xFFFFF000  }
0x3a: {  	_ =	swait.ge [sflag:s25], $0x1000  }
0x3b: {  	[sflag:s25] =	ssyncset.done $0x0  }
0x3c: {  	[sflag:s25] =	ssyncadd.s32 $0xFFFFF000  }
0x3d: {  	_ =	swait.ge [sflag:s25], $0x1000  }
0x3e: {  	[sflag:s25] =	ssyncset.done $0x0  }
0x3f: {  	s28 =	simm.s32 $0x0;
	[sflag:s25] =	ssyncadd.s32 $0xFFFFF000  }
0x40: {  	v0 =	vld [tilespmem:s28+$0x8400]  }
0x41: {  	v1 =	vld [tilespmem:s28+$0x8410]  }
0x42: {  	s29 =	simm.s32 $0x80;
	v2 =	vld [tilespmem:s28+$0x400]  }
.LBB2_2:
0x43: {  	p0 =	sne.s32 s29, $0x1FF80;
	v3 =	vld [tilespmem:s28+$0x410];
	_ =	sdelay $0x3  }
0x44: {  	v2 =	vsub.f32 v2, v0  }
.Ltmp0:
0x45: {  	v3 =	vsub.f32 v3, v1;
	(pc) =	sbr.rel @p0 .LBB2_2-.Ltmp0, $4  }
0x46: {  	s30 =	sshra.s32 s29, $0x2;
	v2 =	vadd.f32 v2, v0  }
0x47: {  	v0 =	vld [tilespmem:s30+$0x8400];
	v3 =	vadd.f32 v3, v1  }
0x48: {  	v1 =	vld [tilespmem:s30+$0x8410];
	[tilespmem:s28+$0x400] =	vst v2  }
0x49: {  	s29 =	sadd.s32 $0x80, s29;
	v2 =	vld [tilespmem:s30+$0x400];
	[tilespmem:s28+$0x410] =	vst v3;
	s28 =	smov.u32 s30  }
0x4a: {  	v3 =	vld [tilespmem:s28+$0x410];
	_ =	sdelay $0x3  }
0x4b: {  	v2 =	vsub.f32 v2, v0  }
0x4c: {  	v3 =	vsub.f32 v3, v1  }
0x4d: {  	v0 =	vadd.f32 v2, v0  }
0x4e: {  	s26 =	sadd.s32 $0x1, s26;
	v1 =	vadd.f32 v3, v1  }
0x4f: {  	p0 =	sne.s32 s26, s7;
	[tilespmem:s28+$0x400] =	vst v0  }
.Ltmp1:
0x50: {  	[tilespmem:s28+$0x410] =	vst v1;
	(pc) =	sbr.rel @p0 .LBB2_1-.Ltmp1, $4  }
0x51: {  	[hbm4b:s6+s2] =	stream.linear.scatter [tilespmem:s11], [sflag:$0x2], $0x8000, $0x38;
	[tilespmem:$0x10400] =	vst v63  }
0x52: {  	_ =	swait.ge [sflag:s8], $0x8000  }
0x53: {  	[sflag:s8] =	ssyncset.done $0x0  }
0x54: {  	[sflag:s8] =	ssyncadd.s32 $0xFFFF8000  }
0x55: {  	_ =	sfence.sel $0x180000  }
0x56: {  	[bflag:$0x0] =	sbarrier.arrive $0xFFFF  }
0x57: {  	p0 =	sne.s32 s1, $0x0;
	_ =	strace $0x90000047  }
0x58: {  	s0 =	sadd.s32 @!p0 $0x100000, s0;
	[bflag:$0x2] =	sbarrier.arrive $0xFFFF  }
0x59: {  	[sflag:s0] =	ssyncadd.tile.s32 @!p0 $0x1;
	_ =	shalt  }
.Lfunc_end2:
_tile_overlayer_lowered:
.L_overlay_start_2:
0x5a: {  	(tag) =	ssettag $0x2  }
0x5b: {  	s0 =	rddreg [dreg:$0x0];
	s2 =	stileid.u32  }
0x5c: {  	s1 =	rddreg [dreg:$0x1];
	p0 =	sne.s32 s2, $0x0  }
0x5d: {  	s3 =	rddreg [dreg:$0x2];
	[bflag:$0x3] =	sbarrier.arrive $0xFFFF;
	s2 =	simm.s32 @!p0 $0x1C02  }
0x5e: {  	[timem:s3], [sflag:s2] =	dma.local @!p0 [hbm:s0], s1  }
0x5f: {  	s0 =	simm.s32 @!p0 $0x2  }
0x60: {  	_ =	swait.ge @!p0 [sflag:s0], s1  }
0x61: {  	s1 =	ssub.s32 @!p0 $0x0, s1;
	[sflag:s0] =	ssyncset.done @!p0 $0x0  }
0x62: {  	[sflag:s0] =	ssyncadd.s32 @!p0 s1  }
0x63: {  	[bflag:$0x3] =	sbarrier.arrive $0xFFFF  }
0x64: {  	_ =	shalt  }

</sc_bundles>
